<compile_context>
chip_gen: v7x
topology: tpu7x:2x2x1
jax: 0.10.2.dev20260603
libtpu: 0.0.44.dev20260713+nightly
codegen_flags: <defaults>
</compile_context>

<pallas_src>
import functools

import jax
import jax.numpy as jnp
from jax import lax
from jax.experimental import pallas as pl
from jax.experimental.pallas import tpu as pltpu
from jax.experimental.pallas import tpu_sc as plsc

EMB_DIM = 128
B_TOTAL = 4096 * 200
NUM_WORKERS = 32
B_PER_W = B_TOTAL // NUM_WORKERS
CHUNK = 400
N_CHUNKS = B_PER_W // CHUNK

_mesh = plsc.VectorSubcoreMesh(core_axis_name="c", subcore_axis_name="s")


@functools.partial(
    pl.kernel,
    mesh=_mesh,
    out_type=jax.ShapeDtypeStruct((B_TOTAL, EMB_DIM), jnp.float32),
    scratch_types=[
        pltpu.VMEM((CHUNK,), jnp.int32),
        pltpu.VMEM((CHUNK,), jnp.int32),
        pltpu.VMEM((CHUNK, EMB_DIM), jnp.float32),
        pltpu.VMEM((CHUNK, EMB_DIM), jnp.float32),
        pltpu.SemaphoreType.DMA,
        pltpu.SemaphoreType.DMA,
        pltpu.SemaphoreType.DMA,
        pltpu.SemaphoreType.DMA,
    ],
)
def _emb_lookup(table_hbm, idx_hbm, out_hbm,
                idx0, idx1, rows0, rows1, gsem0, gsem1, ssem0, ssem1):
    idx = (idx0, idx1)
    rows = (rows0, rows1)
    gsem = (gsem0, gsem1)
    ssem = (ssem0, ssem1)

    wid = lax.axis_index("s") * 2 + lax.axis_index("c")
    base = wid * B_PER_W

    def gather_start(g, b):
        off = base + g * CHUNK
        pltpu.sync_copy(idx_hbm.at[pl.ds(off, CHUNK)], idx[b])
        pltpu.async_copy(table_hbm.at[idx[b]], rows[b], gsem[b])

    def gather_wait(b):
        pltpu.make_async_copy(table_hbm.at[idx[b]], rows[b], gsem[b]).wait()

    def store_start(g, b):
        off = base + g * CHUNK
        pltpu.async_copy(rows[b], out_hbm.at[pl.ds(off, CHUNK)], ssem[b])

    def store_wait(b):
        pltpu.make_async_copy(rows[b], out_hbm.at[pl.ds(base, CHUNK)],
                              ssem[b]).wait()

    gather_start(0, 0)

    def body(h, carry):
        for b in (0, 1):
            g = 2 * h + b
            nb = 1 - b

            @pl.when(g >= 1)
            def _():
                store_wait(nb)

            @pl.when(g + 1 < N_CHUNKS)
            def _():
                gather_start(g + 1, nb)

            gather_wait(b)
            store_start(g, b)
        return carry

    lax.fori_loop(0, N_CHUNKS // 2, body, 0)
    store_wait((N_CHUNKS - 1) % 2)


def kernel(x, W):
    xf = x.reshape(-1).astype(jnp.int32)
    out = _emb_lookup(W, xf)
    return out.reshape(x.shape + (EMB_DIM,))

# --- scband reference (transcript-rebuilt; emitter-appended) ---
"""Pipeline reference for scband-embedding-16260746182947 (READ-ONLY COPY).

The authoritative reference and input builder live on the scoring server;
editing this copy changes nothing except your own understanding.
"""

import jax, jax.numpy as jnp
import numpy as np

NUM_EMBEDDINGS = 100000
EMBEDDING_DIM = 128

def setup_inputs(seed: int = 0) -> dict:
    key = jax.random.key(seed)
    k_idx, k_w = jax.random.split(key)
    x = jax.random.randint(k_idx, (4096, 200), 0, NUM_EMBEDDINGS, dtype=jnp.int64 if jax.config.jax_enable_x64 else jnp.int32)
    # trunc_normal_(mean=0, std=1, a=-3, b=3)
    W = jax.random.truncated_normal(k_w, -3.0, 3.0, (NUM_EMBEDDINGS, EMBEDDING_DIM), dtype=jnp.float32)
    return {"x": x, "W": W}

def reference(x, W):
    # Embedding.forward: return self.W[x]
    return jnp.take(W, x, axis=0)

if __name__ == "__main__":
    import jax
    _d = setup_inputs()
    print(jax.jit(kernel)(*tuple(_d.values())))

</pallas_src>

<mosaic_0001>
#map = affine_map<(d0, d1) -> (0, 0)>
#map1 = affine_map<(d0, d1) -> (0)>
module attributes {stable_mosaic.version = 14 : i64} {
  func.func @_emb_lookup(%arg0: i32, %arg1: i32, %arg2: memref<100000x128xf32, #tpu.memory_space<hbm>>, %arg3: memref<819200xi32, #tpu.memory_space<hbm>>, %arg4: memref<819200x128xf32, #tpu.memory_space<hbm>>, %arg5: memref<400xi32, #tpu.memory_space<vmem>>, %arg6: memref<400xi32, #tpu.memory_space<vmem>>, %arg7: memref<400x128xf32, #tpu.memory_space<vmem>>, %arg8: memref<400x128xf32, #tpu.memory_space<vmem>>, %arg9: memref<!tpu.dma_semaphore, #tpu.memory_space<semaphore_mem>>, %arg10: memref<!tpu.dma_semaphore, #tpu.memory_space<semaphore_mem>>, %arg11: memref<!tpu.dma_semaphore, #tpu.memory_space<semaphore_mem>>, %arg12: memref<!tpu.dma_semaphore, #tpu.memory_space<semaphore_mem>>) attributes {dimension_semantics = [#tpu.dimension_semantics<core_parallel>, #tpu.dimension_semantics<subcore_parallel>], iteration_bounds = array<i64: 2, 16>, scalar_prefetch = 0 : i64, scratch_operands = 8 : i64, tpu.core_type = #tpu.core_type<sc_vector_subcore>, window_params = [{transform_indices = #map}, {transform_indices = #map1}, {transform_indices = #map}]} {
    %mul3A = arith.constant 2 : i32
    %mul3A_0 = arith.muli %arg1, %mul3A : i32
    %add3A = arith.addi %mul3A_0, %arg0 : i32
    %mul3A_1 = arith.constant 25600 : i32
    %mul3A_2 = arith.muli %add3A, %mul3A_1 : i32
    %add3A_3 = arith.constant 0 : i32
    %add3A_4 = arith.addi %mul3A_2, %add3A_3 : i32
    "tpu.region"() ({
      %run_scoped3A = tpu.sem_alloc : memref<!tpu.dma_semaphore, #tpu.memory_space<semaphore_mem>>
      %dma_start3A_15 = tpu.memref_slice %arg3[%add3A_4] : memref<819200xi32, #tpu.memory_space<hbm>> -> memref<400xi32, #tpu.memory_space<hbm>>
      %dma_start3A_16 = tpu.memref_slice %arg3[%add3A_4] : memref<819200xi32, #tpu.memory_space<hbm>> -> memref<400xi32, #tpu.memory_space<hbm>>
      tpu.enqueue_dma source(%dma_start3A_16 : memref<400xi32, #tpu.memory_space<hbm>>) target(%arg5 : memref<400xi32, #tpu.memory_space<vmem>>) target_semaphore(%run_scoped3A : memref<!tpu.dma_semaphore, #tpu.memory_space<semaphore_mem>>)
      %dma_wait3A_17 = tpu.memref_slice %arg3[%add3A_4] : memref<819200xi32, #tpu.memory_space<hbm>> -> memref<400xi32, #tpu.memory_space<hbm>>
      %dma_wait3A_18 = tpu.memref_slice %arg3[%add3A_4] : memref<819200xi32, #tpu.memory_space<hbm>> -> memref<400xi32, #tpu.memory_space<hbm>>
      tpu.wait_dma2 semaphore(%run_scoped3A : memref<!tpu.dma_semaphore, #tpu.memory_space<semaphore_mem>>) src(%dma_wait3A_18 : memref<400xi32, #tpu.memory_space<hbm>>) dst(%arg5 : memref<400xi32, #tpu.memory_space<vmem>>)
      tpu.yield
    }) : () -> ()
    %dma_start3A = arith.constant 0 : i32
    %dma_start3A_5 = arith.constant 0 : i32
    %dma_start3A_6 = tpu.memref_slice %arg2[%dma_start3A, %dma_start3A_5] : memref<100000x128xf32, #tpu.memory_space<hbm>> -> memref<100000x128xf32, #tpu.memory_space<hbm>>
    tpu.enqueue_indirect_dma source(%dma_start3A_6 : memref<100000x128xf32, #tpu.memory_space<hbm>>) target(%arg7 : memref<400x128xf32, #tpu.memory_space<vmem>>) offsets(%arg5 : memref<400xi32, #tpu.memory_space<vmem>>) semaphore(%arg9 : memref<!tpu.dma_semaphore, #tpu.memory_space<semaphore_mem>>)
    %scan3A = arith.constant 0 : i32
    %scan3A_7 = arith.constant 0 : i32
    %scan3A_8 = arith.constant 32 : i32
    %scan3A_9 = arith.addi %scan3A_7, %scan3A_8 : i32
    %scan3A_10 = arith.constant 1 : i32
    scf.for %scan3A_15 = %scan3A_7 to %scan3A_9 step %scan3A_10  : i32 {
      %mul3A_16 = arith.constant 2 : i32
      %mul3A_17 = arith.muli %mul3A_16, %scan3A_15 : i32
      %add3A_18 = arith.constant 0 : i32
      %add3A_19 = arith.addi %mul3A_17, %add3A_18 : i32
      %ge3A = arith.constant 1 : i32
      %ge3A_20 = arith.cmpi sge, %add3A_19, %ge3A : i32
      %convert_element_type3A = arith.extui %ge3A_20 : i1 to i32
      %cond3A = arith.constant 0 : i32
      %cond3A_21 = arith.cmpi ne, %convert_element_type3A, %cond3A : i32
      scf.if %cond3A_21 {
        %dma_wait3A_64 = arith.constant 0 : i32
        %dma_wait3A_65 = tpu.memref_slice %arg4[%mul3A_2, %dma_wait3A_64] : memref<819200x128xf32, #tpu.memory_space<hbm>> -> memref<400x128xf32, #tpu.memory_space<hbm>>
        %dma_wait3A_66 = arith.constant 0 : i32
        %dma_wait3A_67 = tpu.memref_slice %arg4[%mul3A_2, %dma_wait3A_66] : memref<819200x128xf32, #tpu.memory_space<hbm>> -> memref<400x128xf32, #tpu.memory_space<hbm>>
        tpu.wait_dma2 semaphore(%arg12 : memref<!tpu.dma_semaphore, #tpu.memory_space<semaphore_mem>>) src(%arg8 : memref<400x128xf32, #tpu.memory_space<vmem>>) dst(%dma_wait3A_67 : memref<400x128xf32, #tpu.memory_space<hbm>>)
      } else {
      }
      %add3A_22 = arith.constant 1 : i32
      %add3A_23 = arith.addi %add3A_19, %add3A_22 : i32
      %lt3A = arith.constant 64 : i32
      %lt3A_24 = arith.cmpi slt, %add3A_23, %lt3A : i32
      %convert_element_type3A_25 = arith.extui %lt3A_24 : i1 to i32
      %cond3A_26 = arith.constant 0 : i32
      %cond3A_27 = arith.cmpi ne, %convert_element_type3A_25, %cond3A_26 : i32
      scf.if %cond3A_27 {
        %add3A_64 = arith.constant 1 : i32
        %add3A_65 = arith.addi %add3A_19, %add3A_64 : i32
        %mul3A_66 = arith.constant 400 : i32
        %mul3A_67 = arith.muli %add3A_65, %mul3A_66 : i32
        %add3A_68 = arith.addi %mul3A_2, %mul3A_67 : i32
        "tpu.region"() ({
          %run_scoped3A = tpu.sem_alloc : memref<!tpu.dma_semaphore, #tpu.memory_space<semaphore_mem>>
          %dma_start3A_72 = tpu.memref_slice %arg3[%add3A_68] : memref<819200xi32, #tpu.memory_space<hbm>> -> memref<400xi32, #tpu.memory_space<hbm>>
          %dma_start3A_73 = tpu.memref_slice %arg3[%add3A_68] : memref<819200xi32, #tpu.memory_space<hbm>> -> memref<400xi32, #tpu.memory_space<hbm>>
          tpu.enqueue_dma source(%dma_start3A_73 : memref<400xi32, #tpu.memory_space<hbm>>) target(%arg6 : memref<400xi32, #tpu.memory_space<vmem>>) target_semaphore(%run_scoped3A : memref<!tpu.dma_semaphore, #tpu.memory_space<semaphore_mem>>)
          %dma_wait3A_74 = tpu.memref_slice %arg3[%add3A_68] : memref<819200xi32, #tpu.memory_space<hbm>> -> memref<400xi32, #tpu.memory_space<hbm>>
          %dma_wait3A_75 = tpu.memref_slice %arg3[%add3A_68] : memref<819200xi32, #tpu.memory_space<hbm>> -> memref<400xi32, #tpu.memory_space<hbm>>
          tpu.wait_dma2 semaphore(%run_scoped3A : memref<!tpu.dma_semaphore, #tpu.memory_space<semaphore_mem>>) src(%dma_wait3A_75 : memref<400xi32, #tpu.memory_space<hbm>>) dst(%arg6 : memref<400xi32, #tpu.memory_space<vmem>>)
          tpu.yield
        }) : () -> ()
        %dma_start3A_69 = arith.constant 0 : i32
        %dma_start3A_70 = arith.constant 0 : i32
        %dma_start3A_71 = tpu.memref_slice %arg2[%dma_start3A_69, %dma_start3A_70] : memref<100000x128xf32, #tpu.memory_space<hbm>> -> memref<100000x128xf32, #tpu.memory_space<hbm>>
        tpu.enqueue_indirect_dma source(%dma_start3A_71 : memref<100000x128xf32, #tpu.memory_space<hbm>>) target(%arg8 : memref<400x128xf32, #tpu.memory_space<vmem>>) offsets(%arg6 : memref<400xi32, #tpu.memory_space<vmem>>) semaphore(%arg10 : memref<!tpu.dma_semaphore, #tpu.memory_space<semaphore_mem>>)
      } else {
      }
      %dma_wait3A_28 = arith.constant 0 : i32
      %dma_wait3A_29 = arith.constant 0 : i32
      %dma_wait3A_30 = tpu.memref_slice %arg2[%dma_wait3A_28, %dma_wait3A_29] : memref<100000x128xf32, #tpu.memory_space<hbm>> -> memref<100000x128xf32, #tpu.memory_space<hbm>>
      tpu.wait_indirect_dma semaphore(%arg9 : memref<!tpu.dma_semaphore, #tpu.memory_space<semaphore_mem>>) src(%dma_wait3A_30 : memref<100000x128xf32, #tpu.memory_space<hbm>>) dst(%arg7 : memref<400x128xf32, #tpu.memory_space<vmem>>)
      %mul3A_31 = arith.constant 400 : i32
      %mul3A_32 = arith.muli %add3A_19, %mul3A_31 : i32
      %add3A_33 = arith.addi %mul3A_2, %mul3A_32 : i32
      %dma_start3A_34 = arith.constant 0 : i32
      %dma_start3A_35 = tpu.memref_slice %arg4[%add3A_33, %dma_start3A_34] : memref<819200x128xf32, #tpu.memory_space<hbm>> -> memref<400x128xf32, #tpu.memory_space<hbm>>
      %dma_start3A_36 = arith.constant 0 : i32
      %dma_start3A_37 = tpu.memref_slice %arg4[%add3A_33, %dma_start3A_36] : memref<819200x128xf32, #tpu.memory_space<hbm>> -> memref<400x128xf32, #tpu.memory_space<hbm>>
      tpu.enqueue_dma source(%arg7 : memref<400x128xf32, #tpu.memory_space<vmem>>) target(%dma_start3A_37 : memref<400x128xf32, #tpu.memory_space<hbm>>) target_semaphore(%arg11 : memref<!tpu.dma_semaphore, #tpu.memory_space<semaphore_mem>>)
      %mul3A_38 = arith.constant 2 : i32
      %mul3A_39 = arith.muli %mul3A_38, %scan3A_15 : i32
      %add3A_40 = arith.constant 1 : i32
      %add3A_41 = arith.addi %mul3A_39, %add3A_40 : i32
      %ge3A_42 = arith.constant 1 : i32
      %ge3A_43 = arith.cmpi sge, %add3A_41, %ge3A_42 : i32
      %convert_element_type3A_44 = arith.extui %ge3A_43 : i1 to i32
      %cond3A_45 = arith.constant 0 : i32
      %cond3A_46 = arith.cmpi ne, %convert_element_type3A_44, %cond3A_45 : i32
      scf.if %cond3A_46 {
        %dma_wait3A_64 = arith.constant 0 : i32
        %dma_wait3A_65 = tpu.memref_slice %arg4[%mul3A_2, %dma_wait3A_64] : memref<819200x128xf32, #tpu.memory_space<hbm>> -> memref<400x128xf32, #tpu.memory_space<hbm>>
        %dma_wait3A_66 = arith.constant 0 : i32
        %dma_wait3A_67 = tpu.memref_slice %arg4[%mul3A_2, %dma_wait3A_66] : memref<819200x128xf32, #tpu.memory_space<hbm>> -> memref<400x128xf32, #tpu.memory_space<hbm>>
        tpu.wait_dma2 semaphore(%arg11 : memref<!tpu.dma_semaphore, #tpu.memory_space<semaphore_mem>>) src(%arg7 : memref<400x128xf32, #tpu.memory_space<vmem>>) dst(%dma_wait3A_67 : memref<400x128xf32, #tpu.memory_space<hbm>>)
      } else {
      }
      %add3A_47 = arith.constant 1 : i32
      %add3A_48 = arith.addi %add3A_41, %add3A_47 : i32
      %lt3A_49 = arith.constant 64 : i32
      %lt3A_50 = arith.cmpi slt, %add3A_48, %lt3A_49 : i32
      %convert_element_type3A_51 = arith.extui %lt3A_50 : i1 to i32
      %cond3A_52 = arith.constant 0 : i32
      %cond3A_53 = arith.cmpi ne, %convert_element_type3A_51, %cond3A_52 : i32
      scf.if %cond3A_53 {
        %add3A_64 = arith.constant 1 : i32
        %add3A_65 = arith.addi %add3A_41, %add3A_64 : i32
        %mul3A_66 = arith.constant 400 : i32
        %mul3A_67 = arith.muli %add3A_65, %mul3A_66 : i32
        %add3A_68 = arith.addi %mul3A_2, %mul3A_67 : i32
        "tpu.region"() ({
          %run_scoped3A = tpu.sem_alloc : memref<!tpu.dma_semaphore, #tpu.memory_space<semaphore_mem>>
          %dma_start3A_72 = tpu.memref_slice %arg3[%add3A_68] : memref<819200xi32, #tpu.memory_space<hbm>> -> memref<400xi32, #tpu.memory_space<hbm>>
          %dma_start3A_73 = tpu.memref_slice %arg3[%add3A_68] : memref<819200xi32, #tpu.memory_space<hbm>> -> memref<400xi32, #tpu.memory_space<hbm>>
          tpu.enqueue_dma source(%dma_start3A_73 : memref<400xi32, #tpu.memory_space<hbm>>) target(%arg5 : memref<400xi32, #tpu.memory_space<vmem>>) target_semaphore(%run_scoped3A : memref<!tpu.dma_semaphore, #tpu.memory_space<semaphore_mem>>)
          %dma_wait3A_74 = tpu.memref_slice %arg3[%add3A_68] : memref<819200xi32, #tpu.memory_space<hbm>> -> memref<400xi32, #tpu.memory_space<hbm>>
          %dma_wait3A_75 = tpu.memref_slice %arg3[%add3A_68] : memref<819200xi32, #tpu.memory_space<hbm>> -> memref<400xi32, #tpu.memory_space<hbm>>
          tpu.wait_dma2 semaphore(%run_scoped3A : memref<!tpu.dma_semaphore, #tpu.memory_space<semaphore_mem>>) src(%dma_wait3A_75 : memref<400xi32, #tpu.memory_space<hbm>>) dst(%arg5 : memref<400xi32, #tpu.memory_space<vmem>>)
          tpu.yield
        }) : () -> ()
        %dma_start3A_69 = arith.constant 0 : i32
        %dma_start3A_70 = arith.constant 0 : i32
        %dma_start3A_71 = tpu.memref_slice %arg2[%dma_start3A_69, %dma_start3A_70] : memref<100000x128xf32, #tpu.memory_space<hbm>> -> memref<100000x128xf32, #tpu.memory_space<hbm>>
        tpu.enqueue_indirect_dma source(%dma_start3A_71 : memref<100000x128xf32, #tpu.memory_space<hbm>>) target(%arg7 : memref<400x128xf32, #tpu.memory_space<vmem>>) offsets(%arg5 : memref<400xi32, #tpu.memory_space<vmem>>) semaphore(%arg9 : memref<!tpu.dma_semaphore, #tpu.memory_space<semaphore_mem>>)
      } else {
      }
      %dma_wait3A_54 = arith.constant 0 : i32
      %dma_wait3A_55 = arith.constant 0 : i32
      %dma_wait3A_56 = tpu.memref_slice %arg2[%dma_wait3A_54, %dma_wait3A_55] : memref<100000x128xf32, #tpu.memory_space<hbm>> -> memref<100000x128xf32, #tpu.memory_space<hbm>>
      tpu.wait_indirect_dma semaphore(%arg10 : memref<!tpu.dma_semaphore, #tpu.memory_space<semaphore_mem>>) src(%dma_wait3A_56 : memref<100000x128xf32, #tpu.memory_space<hbm>>) dst(%arg8 : memref<400x128xf32, #tpu.memory_space<vmem>>)
      %mul3A_57 = arith.constant 400 : i32
      %mul3A_58 = arith.muli %add3A_41, %mul3A_57 : i32
      %add3A_59 = arith.addi %mul3A_2, %mul3A_58 : i32
      %dma_start3A_60 = arith.constant 0 : i32
      %dma_start3A_61 = tpu.memref_slice %arg4[%add3A_59, %dma_start3A_60] : memref<819200x128xf32, #tpu.memory_space<hbm>> -> memref<400x128xf32, #tpu.memory_space<hbm>>
      %dma_start3A_62 = arith.constant 0 : i32
      %dma_start3A_63 = tpu.memref_slice %arg4[%add3A_59, %dma_start3A_62] : memref<819200x128xf32, #tpu.memory_space<hbm>> -> memref<400x128xf32, #tpu.memory_space<hbm>>
      tpu.enqueue_dma source(%arg8 : memref<400x128xf32, #tpu.memory_space<vmem>>) target(%dma_start3A_63 : memref<400x128xf32, #tpu.memory_space<hbm>>) target_semaphore(%arg12 : memref<!tpu.dma_semaphore, #tpu.memory_space<semaphore_mem>>)
    }
    %scan3A_11 = arith.constant 32 : i32
    %dma_wait3A = arith.constant 0 : i32
    %dma_wait3A_12 = tpu.memref_slice %arg4[%mul3A_2, %dma_wait3A] : memref<819200x128xf32, #tpu.memory_space<hbm>> -> memref<400x128xf32, #tpu.memory_space<hbm>>
    %dma_wait3A_13 = arith.constant 0 : i32
    %dma_wait3A_14 = tpu.memref_slice %arg4[%mul3A_2, %dma_wait3A_13] : memref<819200x128xf32, #tpu.memory_space<hbm>> -> memref<400x128xf32, #tpu.memory_space<hbm>>
    tpu.wait_dma2 semaphore(%arg12 : memref<!tpu.dma_semaphore, #tpu.memory_space<semaphore_mem>>) src(%arg8 : memref<400x128xf32, #tpu.memory_space<vmem>>) dst(%dma_wait3A_14 : memref<400x128xf32, #tpu.memory_space<hbm>>)
    return
  }
}

</mosaic_0001>

<sc_bundles>
// kernel: kernel.3.cloned.1.call-start
scs
__scs_entry_jumppad:
0x0: {  	(pc) =	sbr.rel $0x88, $3  }
0x1: {  	(tag) =	ssettag $0x0;
	lr =	simm.s32 $0x1  }
0x2: {  	[smem:$0x3F9F] =	sst lr;
	_ =	strace $0xD0000000  }
0x3: {  	_ = 	snop  }
0x4: {  	_ = 	snop  }
0x5: {  	_ = 	snop  }
0x6: {  	_ = 	snop  }
0x7: {  	_ = 	snop  }
__scs_overlays_trampoline_lowered:
0x8: {  	[smem:$0x3FAE] =	sst s0  }
0x9: {  	[smem:$0x3FAF] =	sst s1  }
0xa: {  	[smem:$0x3FB0] =	sst s2  }
0xb: {  	[smem:$0x3FB1] =	sst s3  }
0xc: {  	[smem:$0x3FB2] =	sst s4  }
0xd: {  	[smem:$0x3FB3] =	sst s5  }
0xe: {  	[smem:$0x3FB4] =	sst s6  }
0xf: {  	[smem:$0x3FB5] =	sst s7  }
0x10: {  	[smem:$0x3FB6] =	sst s8  }
0x11: {  	[smem:$0x3FB7] =	sst s9;
	s0 =	simm.s32 @!p0 $0x0  }
0x12: {  	s1 =	sld [smem:$0x3F9D];
	s0 =	simm.s32 @p0 $0x1  }
0x13: {  	[smem:$0x3FB8] =	sst s0;
	s0 =	simm.s32 @!p1 $0x0  }
0x14: {  	s2 =	sld [smem:$0x3F9C];
	s0 =	simm.s32 @p1 $0x1  }
0x15: {  	[smem:$0x3FB9] =	sst s0;
	s0 =	simm.s32 @!p2 $0x0  }
0x16: {  	s3 =	sld [smem:$0x3FDB];
	s0 =	simm.s32 @p2 $0x1  }
0x17: {  	s4 =	simm.s32 $0x1BF5;
	[smem:$0x3FBB] =	sst s0  }
0x18: {  	s0 =	sld [smem:$0x3F9E];
	_ =	swait.ge [sflag:s4], $0x0  }
0x19: {  	s7 =	sld [smem:$0x3F9F]  }
0x1a: {  	s8 =	sadd.s32 $0xFFFFE003, lr  }
0x1b: {  	s9 =	sadd.s32 $0xFFFFFEF7, lr;
	s5 =	simm.s32 $0xFFFFFFFF;
	p2 =	slt.u32 s8, $0xFFFFF086  }
0x1c: {  	p1 =	slt.u32 s9, $0xF7A;
	s5 =	simm.s32 @!p2 $0x0  }
0x1d: {  	s5 =	simm.s32 @p1 $0x1;
	p0 =	seq.s32 s7, s2  }
0x1e: {  	s7 =	smul.u32 @!p0 $0xF7A, s2;
	p2 =	seq.s32 @!p0 s5, $0x0  }
0x1f: {  	s9 =	smul.u32 $0xF7A, s1;
	s8 =	simm.s32 @!p0 $0x1BF5;
	p2 =	por !p2, p0  }
0x20: {  	[sflag:s8] =	ssyncset.s32 @!p0 $0xFFFFF086;
	s6 =	sadd.s32 @!p0 s3, s7;
	s7 =	simm.s32 @!p0 $0x108  }
0x21: {  	s3 =	sadd.s32 s3, s9;
	s6 =	sadd.s32 @!p0 $0x88, s6;
	s7 =	simm.s32 @p2 $0x1082  }
0x22: {  	[simem:s7], [sflag:s8] =	dma.local @!p0 [hbm:s6], $0xF7A  }
0x23: {  	s9 =	sor.u32 $0xD0000000, s2;
	s6 =	simm.s32 $0x108;
	_ =	swait.ge @!p0 [sflag:s8], $0x0  }
0x24: {  	s3 =	sadd.s32 $0x88, s3;
	s6 =	simm.s32 @!p1 $0x1082;
	[sflag:s4] =	ssyncset.s32 $0xFFFFF086  }
0x25: {  	[simem:s6], [sflag:s4] =	dma.local [hbm:s3], $0xF7A  }
0x26: {  	[smem:$0x3F9F] =	sst s1;
	(tag) =	ssettag s2;
	_ =	strace s9  }
0x27: {  	s1 =	sld [smem:$0x3FAF]  }
0x28: {  	s2 =	sld [smem:$0x3FB0]  }
0x29: {  	s4 =	sld [smem:$0x3FB2]  }
0x2a: {  	p0 =	seq.s32 s5, $0x0;
	s5 =	sld [smem:$0x3FB3]  }
0x2b: {  	s6 =	sld [smem:$0x3FB4]  }
0x2c: {  	s7 =	sld [smem:$0x3FB5]  }
0x2d: {  	s3 =	simm.s32 $0x108;
	s8 =	sld [smem:$0x3FB6]  }
0x2e: {  	s3 =	simm.s32 @!p0 $0x1082;
	s9 =	sld [smem:$0x3FB7]  }
0x2f: {  	lr =	sadd.s32 s0, s3;
	s0 =	sld [smem:$0x3FAE]  }
0x30: {  	s3 =	sld [smem:$0x3FB1]  }
0x31: {  	[smem:$0x3FBA] =	sst s10  }
0x32: {  	s10 =	sld [smem:$0x3FB8];
	_ =	sdelay $0x3  }
0x33: {  	p0 =	seq.s32 s10, $0x1;
	s10 =	sld [smem:$0x3FBA];
	_ =	sdelay $0x3  }
0x34: {  	[smem:$0x3FBA] =	sst s10  }
0x35: {  	s10 =	sld [smem:$0x3FB9];
	_ =	sdelay $0x3  }
0x36: {  	p1 =	seq.s32 s10, $0x1;
	s10 =	sld [smem:$0x3FBA];
	_ =	sdelay $0x3  }
0x37: {  	[smem:$0x3FBA] =	sst s10  }
0x38: {  	s10 =	sld [smem:$0x3FBB]  }
0x39: {  	_ = 	snop;
	(pc) =	sbr.ind lr, $3  }
0x3a: {  	_ = 	snop  }
0x3b: {  	_ = 	snop  }
0x3c: {  	p2 =	seq.s32 s10, $0x1;
	s10 =	sld [smem:$0x3FBA]  }
0x3d: {  	_ =	shalt  }
0x3e: {  	_ =	shalt  }
0x3f: {  	_ =	shalt  }
0x40: {  	_ =	shalt  }
0x41: {  	_ =	shalt  }
0x42: {  	_ =	shalt  }
0x43: {  	_ =	shalt  }
0x44: {  	_ =	shalt  }
0x45: {  	_ =	shalt  }
0x46: {  	_ =	shalt  }
0x47: {  	_ =	shalt  }
0x48: {  	_ =	shalt  }
0x49: {  	_ =	shalt  }
0x4a: {  	_ =	shalt  }
0x4b: {  	_ =	shalt  }
0x4c: {  	_ =	shalt  }
0x4d: {  	_ =	shalt  }
0x4e: {  	_ =	shalt  }
0x4f: {  	_ =	shalt  }
0x50: {  	_ =	shalt  }
0x51: {  	_ =	shalt  }
0x52: {  	_ =	shalt  }
0x53: {  	_ =	shalt  }
0x54: {  	_ =	shalt  }
0x55: {  	_ =	shalt  }
0x56: {  	_ =	shalt  }
0x57: {  	_ =	shalt  }
0x58: {  	_ =	shalt  }
0x59: {  	_ =	shalt  }
0x5a: {  	_ =	shalt  }
0x5b: {  	_ =	shalt  }
0x5c: {  	_ =	shalt  }
0x5d: {  	_ =	shalt  }
0x5e: {  	_ =	shalt  }
0x5f: {  	_ =	shalt  }
0x60: {  	_ =	shalt  }
0x61: {  	_ =	shalt  }
0x62: {  	_ =	shalt  }
0x63: {  	_ =	shalt  }
0x64: {  	_ =	shalt  }
0x65: {  	_ =	shalt  }
0x66: {  	_ =	shalt  }
0x67: {  	_ =	shalt  }
0x68: {  	_ =	shalt  }
0x69: {  	_ =	shalt  }
0x6a: {  	_ =	shalt  }
0x6b: {  	_ =	shalt  }
0x6c: {  	_ =	shalt  }
0x6d: {  	_ =	shalt  }
0x6e: {  	_ =	shalt  }
0x6f: {  	_ =	shalt  }
0x70: {  	_ =	shalt  }
0x71: {  	_ =	shalt  }
0x72: {  	_ =	shalt  }
0x73: {  	_ =	shalt  }
0x74: {  	_ =	shalt  }
0x75: {  	_ =	shalt  }
0x76: {  	_ =	shalt  }
0x77: {  	_ =	shalt  }
0x78: {  	_ =	shalt  }
0x79: {  	_ =	shalt  }
0x7a: {  	_ =	shalt  }
0x7b: {  	_ =	shalt  }
0x7c: {  	_ =	shalt  }
0x7d: {  	_ =	shalt  }
0x7e: {  	_ =	shalt  }
0x7f: {  	_ =	shalt  }
0x80: {  	_ =	shalt  }
0x81: {  	_ =	shalt  }
0x82: {  	_ =	shalt  }
0x83: {  	_ =	shalt  }
0x84: {  	_ =	shalt  }
0x85: {  	_ =	shalt  }
0x86: {  	_ =	shalt  }
0x87: {  	_ =	shalt  }
.Lfunc_end0:
.L_simem_size_0:
called_computation_lowered:
.L_overlay_start_0:
0x88: {  	s2 =	sld [smem:$0x3FD9]  }
0x89: {  	s3 =	sld [smem:$0x3FFE];
	_ =	sdelay $0x1  }
0x8a: {  	s1 =	srdreg.scid  }
0x8b: {  	s0 =	sand.u32 $0x1, s1  }
0x8c: {  	s17 =	sshll.u32 s0, $0xA;
	s2 =	sadd.s32 s3, s2  }
0x8d: {  	s2 =	sadd.s32 s2, s17  }
0x8e: {  	[smem:$0x3FC6] =	sst s2  }
0x8f: {  	_ = 	snop  }
0x90: {  	s2 =	sld [smem:$0x3FC8]  }
0x91: {  	s18 =	sld [smem:$0x3FD0];
	(tm) =	ssettm $0x1  }
0x92: {  	s4 =	sld [smem:$0x3FFB];
	_ =	sdelay $0x3  }
0x93: {  	_ =	strace s4  }
0x94: {  	s4 =	sld [smem:$0x3FFC];
	_ =	sdelay $0x3  }
0x95: {  	_ =	strace s4  }
0x96: {  	s4 =	sld [smem:$0x3FFD];
	_ =	sdelay $0x3  }
0x97: {  	_ =	strace s4  }
0x98: {  	_ =	strace $0x8FFFFFFF  }
0x99: {  	s19 =	sld [smem:$0x3FDB];
	_ =	sdelay $0x1  }
0x9a: {  	s5 =	simm.s32 $_scs_section_size  }
0x9b: {  	s6 =	simm.s32 $_size__tile_overlayer_lowered;
	s7 =	simm.s32 $_tile_overlayer_lowered  }
0x9c: {  	s22 =	simm.s32 $0x1BFF;
	s21 =	sshll.u32 s7, $0x1;
	s4 =	sadd.s32 s5, s19  }
0x9d: {  	s8 =	simm.s32 $0x0;
	s20 =	sshll.u32 s6, $0x1;
	s6 =	sadd.s32 s21, s4  }
0x9e: {  	[timem:s8], [sflag:s22] =	dma.local [hbm:s6], s20  }
0x9f: {  	_ =	swait.ge [sflag:s22], s20  }
0xa0: {  	s5 =	ssub.s32 $0x0, s20;
	[sflag:s22] =	ssyncset.done $0x0  }
0xa1: {  	[sflag:s22] =	ssyncadd.s32 s5;
	_ =	sdelay $0x1  }
0xa2: {  	s23 =	simm.s32 $0x1B8B  }
0xa3: {  	_ =	swait.ge [sflag:s23], $0x1  }
0xa4: {  	[sflag:s23] =	ssyncset.done $0x0  }
0xa5: {  	s25 =	simm.s32 $0x1B8E;
	s24 =	sld [smem:$0x3FFE];
	[sflag:s23] =	ssyncadd.s32 $0xFFFFFFFF  }
0xa6: {  	s26 =	simm.s32 $execute0_lowered;
	[smem:$0x3FD2] =	sst s25  }
0xa7: {  	s6 =	sshll.u32 s26, $0x1;
	_ =	strace $0x80000046;
	[dreg:$0x1] =	wrdreg $0xFFFFFFFF  }
0xa8: {  	s28 =	simm.s32 $_size_execute0_lowered;
	s4 =	sadd.s32 s4, s6;
	[dreg:$0x0] =	wrdreg $0x0  }
0xa9: {  	s6 =	sshll.u32 s28, $0x1;
	[dreg:$0x2] =	wrdreg s4  }
0xaa: {  	[dreg:$0x3] =	wrdreg s6  }
0xab: {  	[dreg:$0x4] =	wrdreg $0xC0  }
0xac: {  	_ =	task [dreg:s8], $0x5FFFF  }
0xad: {  	[dreg:$0x1] =	wrdreg $0xFFFFFFFF  }
0xae: {  	[dreg:$0x0] =	wrdreg $0x60  }
0xaf: {  	[dreg:$0x2] =	wrdreg s2  }
0xb0: {  	[dreg:$0x3] =	wrdreg s24  }
0xb1: {  	[dreg:$0x4] =	wrdreg s18  }
0xb2: {  	[dreg:$0x5] =	wrdreg $0x9  }
0xb3: {  	_ =	task.clear_ibuf [dreg:s8], $0x6FFFF;
	_ =	strace $0x90000046  }
0xb4: {  	s29 =	simm.s32 $0x9;
	_ =	strace $0x80000048  }
0xb5: {  	_ =	swait.ge [sflag:s29], $0x1  }
0xb6: {  	[sflag:s29] =	ssyncadd.s32 $0xFFFFFFFF  }
0xb7: {  	_ =	strace $0x90000048  }
0xb8: {  	_ =	sfence  }
0xb9: {  	s30 =	sld [smem:$0x0];
	_ =	sdelay $0x2  }
0xba: {  	s31 =	sshll.u32 s1, $0xD;
	s1 =	sshrl.u32 s1, $0x2  }
0xbb: {  	s3 =	sand.u32 $0x4000, s31;
	s1 =	sadd.s32 s1, s30  }
0xbc: {  	s0 =	sor.u32 s3, s0;
	s1 =	sshll.u32 s1, $0x11  }
0xbd: {  	s0 =	sor.u32 s1, s0  }
0xbe: {  	s0 =	sadd.s32 $0x8F2B, s0  }
0xbf: {  	[sflag:s0] =	ssyncadd.remote.s32 $0x1  }
0xc0: {  	_ =	sfence.sel $0xFFFF  }
0xc1: {  	[dreg:$0x0] =	wrdreg $0xFFFFFFFF;
	(pc) =	sbr.abs _section_cstart, $3  }
0xc2: {  	[dreg:$0x1] =	wrdreg $0xFFFFFFFF  }
0xc3: {  	_ =	task.clear_ibuf [dreg:s8], $0x2FFFF;
	_ =	strace $0x9FFFFFFF  }
0xc4: {  	(tm) =	ssettm $0x7FFFFFFF  }
0xc5: {  	_ =	shalt  }
tec
execute0_lowered:
.L_overlay_start_1:
0x0: {  	(tag) =	ssettag $0x1  }
0x1: {  	s1 =	rddreg [dreg:$0x0]  }
0x2: {  	s4 =	rddreg [dreg:$0x1];
	s2 =	srdreg.scid  }
0x3: {  	s0 =	stileid.u32;
	s9 =	rddreg [dreg:$0x2]  }
0x4: {  	s3 =	simm.s32 $0x0;
	s17 =	simm.s32 $0x400;
	s18 =	simm.s32 $0x200  }
0x5: {  	s19 =	simm.s32 $0xCC00;
	s20 =	simm.s32 $0x1;
	s21 =	simm.s32 $0x3  }
0x6: {  	s22 =	simm.s32 $0x2;
	s10 =	sand.u32 $0x1, s2;
	s13 =	smul.u32 $0xC8000, s0  }
0x7: {  	s5 =	sshll.u32 s0, $0x1;
	s2 =	rddreg [dreg:$0x3];
	s15 =	smul.u32 $0xC800, s0  }
0x8: {  	[smem:$0x7FF] =	sst s3;
	s14 =	sadd.s32 $0x400, s4;
	s16 =	smul.u32 $0x6400, s10  }
0x9: {  	s5 =	sor.u32 s10, s5;
	s7 =	ssub.s32 $0x2, s10;
	s10 =	smul.u32 $0x64000, s10  }
0xa: {  	_ =	strace $0x80000047;
	s6 =	smul.u32 $0x6400, s5;
	s23 =	sshrl.u32 s7, $0x1  }
0xb: {  	s24 =	smul.u32 $0x64000, s5;
	s26 =	sadd.s32 s13, s9;
	s7 =	ssub.s32 s7, s23  }
0xc: {  	s28 =	sadd.s32 s16, s15;
	s29 =	sadd.s32 s10, s26;
	s16 =	simm.s32 $0x190  }
0xd: {  	s23 =	simm.s32 $0x4;
	s8 =	sshrl.u32 s6, $0x3;
	s11 =	sor.u32 $0x190, s6  }
0xe: {  	s12 =	sor.u32 $0x320, s6;
	s5 =	smax.u32 s7, $0x1;
	s7 =	sadd.s32 s9, s24  }
0xf: {  	s30 =	sadd.s32 $0x7D0, s28;
	s15 =	sadd.s32 $0x640, s28;
	s13 =	sadd.s32 $0x4B0, s28  }
0x10: {  	s24 =	simm.s32 $0x0;
	s4 =	sadd.s32 s14, s8;
	s25 =	sshrl.u32 s11, $0x3  }
0x11: {  	s12 =	sshrl.u32 s12, $0x3;
	s11 =	sshll.u32 s11, $0x4;
	s10 =	sadd.s32 $0x60E00, s7  }
0x12: {  	s15 =	sshrl.u32 s15, $0x3;
	s31 =	sshrl.u32 s13, $0x3;
	s6 =	sadd.s32 s14, s25  }
0x13: {  	s8 =	sadd.s32 s14, s12;
	s9 =	sadd.s32 s9, s11;
	s12 =	sshrl.u32 s30, $0x3  }
0x14: {  	s11 =	sadd.s32 $0x4B00, s29;
	s13 =	sadd.s32 s15, s14;
	s12 =	sadd.s32 s12, s14  }
0x15: {  	s15 =	simm.s32 $0x5;
	s14 =	sadd.s32 s31, s14;
	s12 =	sadd.s32 $0xFFFFFF9C, s12  }
.LBB2_1:
0x16: {  	[tilespmem:s3], [sflag:$0x5] =	stream.linear.gather [hbm4b:s4+s3], $0x190, $0x38;
	[tilespmem:$0x19400] =	vst v63  }
0x17: {  	_ =	swait.ge [sflag:s15], $0x190  }
0x18: {  	[sflag:s15] =	ssyncset.done $0x0  }
0x19: {  	[sflag:s15] =	ssyncadd.s32 $0xFFFFFE70  }
0x1a: {  	[tilespmem:s17], [sflag:$0x1] =	stream.indirect.gather [hbm4b:s1+s16], $0x80, s3, s16, $0xb8;
	[tilespmem:$0x19400] =	vst v63  }
0x1b: {  	_ = 	snop  }
0x1c: {  	[tilespmem:s18], [sflag:$0x5] =	stream.linear.gather [hbm4b:s6+s3], $0x190, $0x38;
	[tilespmem:$0x19400] =	vst v63  }
0x1d: {  	_ =	swait.ge [sflag:s15], $0x190  }
0x1e: {  	[sflag:s15] =	ssyncset.done $0x0  }
0x1f: {  	[sflag:s15] =	ssyncadd.s32 $0xFFFFFE70  }
0x20: {  	[tilespmem:s19], [sflag:$0x2] =	stream.indirect.gather [hbm4b:s1+s16], $0x80, s18, s16, $0xb8;
	[tilespmem:$0x19400] =	vst v63  }
0x21: {  	_ =	swait.ge [sflag:s20], $0xC800  }
0x22: {  	[sflag:s20] =	ssyncset.done $0x0  }
0x23: {  	[sflag:s20] =	ssyncadd.s32 $0xFFFF3800  }
0x24: {  	[hbm4b:s7+s3] =	stream.linear.scatter [tilespmem:s17], [sflag:$0x3], $0xC800, $0x38;
	[tilespmem:$0x19400] =	vst v63  }
0x25: {  	_ =	swait.ge [sflag:s21], $0xC800  }
0x26: {  	[sflag:s21] =	ssyncset.done $0x0  }
0x27: {  	[sflag:s21] =	ssyncadd.s32 $0xFFFF3800  }
0x28: {  	[tilespmem:s3], [sflag:$0x5] =	stream.linear.gather [hbm4b:s8+s3], $0x190, $0x38;
	[tilespmem:$0x19400] =	vst v63  }
0x29: {  	_ =	swait.ge [sflag:s15], $0x190  }
0x2a: {  	[sflag:s15] =	ssyncset.done $0x0  }
0x2b: {  	[sflag:s15] =	ssyncadd.s32 $0xFFFFFE70  }
0x2c: {  	[tilespmem:s17], [sflag:$0x1] =	stream.indirect.gather [hbm4b:s1+s16], $0x80, s3, s16, $0xb8;
	[tilespmem:$0x19400] =	vst v63  }
0x2d: {  	_ =	swait.ge [sflag:s22], $0xC800  }
0x2e: {  	[sflag:s22] =	ssyncset.done $0x0  }
0x2f: {  	[sflag:s22] =	ssyncadd.s32 $0xFFFF3800  }
0x30: {  	[hbm4b:s9+s3] =	stream.linear.scatter [tilespmem:s19], [sflag:$0x4], $0xC800, $0x38;
	[tilespmem:$0x19400] =	vst v63  }
0x31: {  	_ =	swait.ge [sflag:s23], $0xC800  }
0x32: {  	[sflag:s23] =	ssyncset.done $0x0  }
0x33: {  	s25 =	sadd.s32 $0x0, s14;
	[sflag:s23] =	ssyncadd.s32 $0xFFFF3800  }
0x34: {  	[tilespmem:s18], [sflag:$0x5] =	stream.linear.gather [hbm4b:s25+s3], $0x190, $0x38;
	[tilespmem:$0x19400] =	vst v63  }
0x35: {  	_ =	swait.ge [sflag:s15], $0x190  }
0x36: {  	[sflag:s15] =	ssyncset.done $0x0  }
0x37: {  	[sflag:s15] =	ssyncadd.s32 $0xFFFFFE70  }
0x38: {  	[tilespmem:s19], [sflag:$0x2] =	stream.indirect.gather [hbm4b:s1+s16], $0x80, s18, s16, $0xb8;
	[tilespmem:$0x19400] =	vst v63  }
0x39: {  	_ =	swait.ge [sflag:s20], $0xC800  }
0x3a: {  	[sflag:s20] =	ssyncset.done $0x0  }
0x3b: {  	s30 =	sadd.s32 $0xFFFFE700, s11;
	[sflag:s20] =	ssyncadd.s32 $0xFFFF3800  }
0x3c: {  	[hbm4b:s30+s3] =	stream.linear.scatter [tilespmem:s17], [sflag:$0x3], $0xC800, $0x38;
	[tilespmem:$0x19400] =	vst v63  }
0x3d: {  	_ =	swait.ge [sflag:s21], $0xC800  }
0x3e: {  	[sflag:s21] =	ssyncset.done $0x0  }
0x3f: {  	s31 =	sadd.s32 $0x0, s13;
	[sflag:s21] =	ssyncadd.s32 $0xFFFF3800  }
0x40: {  	[tilespmem:s3], [sflag:$0x5] =	stream.linear.gather [hbm4b:s31+s3], $0x190, $0x38;
	[tilespmem:$0x19400] =	vst v63  }
0x41: {  	_ =	swait.ge [sflag:s15], $0x190  }
0x42: {  	[sflag:s15] =	ssyncset.done $0x0  }
0x43: {  	[sflag:s15] =	ssyncadd.s32 $0xFFFFFE70  }
0x44: {  	[tilespmem:s17], [sflag:$0x1] =	stream.indirect.gather [hbm4b:s1+s16], $0x80, s3, s16, $0xb8;
	[tilespmem:$0x19400] =	vst v63  }
0x45: {  	_ =	swait.ge [sflag:s22], $0xC800  }
0x46: {  	s26 =	simm.s32 $0x64;
	[sflag:s22] =	ssyncset.done $0x0  }
0x47: {  	s28 =	smov.u32 s11;
	s25 =	sadd.s32 $0x3200, s11;
	[sflag:s22] =	ssyncadd.s32 $0xFFFF3800  }
.LBB2_2:
0x48: {  	[hbm4b:s28+s3] =	stream.linear.scatter [tilespmem:s19], [sflag:$0x4], $0xC800, $0x38;
	[tilespmem:$0x19400] =	vst v63  }
0x49: {  	s29 =	smov.u32 s26;
	s26 =	sadd.s32 $0x64, s26;
	_ =	swait.ge [sflag:s23], $0xC800  }
0x4a: {  	s28 =	smov.u32 s25;
	p0 =	sne.s32 s26, $0xBB8;
	[sflag:s23] =	ssyncset.done $0x0  }
0x4b: {  	s30 =	sadd.s32 s29, s14;
	[sflag:s23] =	ssyncadd.s32 $0xFFFF3800  }
0x4c: {  	[tilespmem:s18], [sflag:$0x5] =	stream.linear.gather [hbm4b:s30+s3], $0x190, $0x38;
	[tilespmem:$0x19400] =	vst v63  }
0x4d: {  	_ =	swait.ge [sflag:s15], $0x190  }
0x4e: {  	[sflag:s15] =	ssyncset.done $0x0  }
0x4f: {  	[sflag:s15] =	ssyncadd.s32 $0xFFFFFE70  }
0x50: {  	[tilespmem:s19], [sflag:$0x2] =	stream.indirect.gather [hbm4b:s1+s16], $0x80, s18, s16, $0xb8;
	[tilespmem:$0x19400] =	vst v63  }
0x51: {  	_ =	swait.ge [sflag:s20], $0xC800  }
0x52: {  	[sflag:s20] =	ssyncset.done $0x0  }
0x53: {  	s30 =	sadd.s32 $0xFFFFE700, s25;
	[sflag:s20] =	ssyncadd.s32 $0xFFFF3800  }
0x54: {  	[hbm4b:s30+s3] =	stream.linear.scatter [tilespmem:s17], [sflag:$0x3], $0xC800, $0x38;
	[tilespmem:$0x19400] =	vst v63  }
0x55: {  	_ =	swait.ge [sflag:s21], $0xC800  }
0x56: {  	[sflag:s21] =	ssyncset.done $0x0  }
0x57: {  	s29 =	sadd.s32 s29, s13;
	[sflag:s21] =	ssyncadd.s32 $0xFFFF3800  }
0x58: {  	[tilespmem:s3], [sflag:$0x5] =	stream.linear.gather [hbm4b:s29+s3], $0x190, $0x38;
	[tilespmem:$0x19400] =	vst v63  }
0x59: {  	_ =	swait.ge [sflag:s15], $0x190  }
0x5a: {  	[sflag:s15] =	ssyncset.done $0x0  }
.Ltmp0:
0x5b: {  	[sflag:s15] =	ssyncadd.s32 $0xFFFFFE70;
	(pc) =	sbr.rel @p0 .LBB2_2-.Ltmp0, $4  }
0x5c: {  	[tilespmem:s17], [sflag:$0x1] =	stream.indirect.gather [hbm4b:s1+s16], $0x80, s3, s16, $0xb8;
	[tilespmem:$0x19400] =	vst v63  }
0x5d: {  	_ =	swait.ge [sflag:s22], $0xC800  }
0x5e: {  	[sflag:s22] =	ssyncset.done $0x0  }
0x5f: {  	s25 =	sadd.s32 $0x3200, s25;
	[sflag:s22] =	ssyncadd.s32 $0xFFFF3800  }
0x60: {  	[hbm4b:s28+s3] =	stream.linear.scatter [tilespmem:s19], [sflag:$0x4], $0xC800, $0x38;
	[tilespmem:$0x19400] =	vst v63  }
0x61: {  	_ =	swait.ge [sflag:s23], $0xC800  }
0x62: {  	[sflag:s23] =	ssyncset.done $0x0  }
0x63: {  	s26 =	sadd.s32 s26, s12;
	[sflag:s23] =	ssyncadd.s32 $0xFFFF3800  }
0x64: {  	[tilespmem:s18], [sflag:$0x5] =	stream.linear.gather [hbm4b:s26+s3], $0x190, $0x38;
	[tilespmem:$0x19400] =	vst v63  }
0x65: {  	_ =	swait.ge [sflag:s15], $0x190  }
0x66: {  	[sflag:s15] =	ssyncset.done $0x0  }
0x67: {  	[sflag:s15] =	ssyncadd.s32 $0xFFFFFE70  }
0x68: {  	[tilespmem:s19], [sflag:$0x2] =	stream.indirect.gather [hbm4b:s1+s16], $0x80, s18, s16, $0xb8;
	[tilespmem:$0x19400] =	vst v63  }
0x69: {  	_ =	swait.ge [sflag:s20], $0xC800  }
0x6a: {  	[sflag:s20] =	ssyncset.done $0x0  }
0x6b: {  	[sflag:s20] =	ssyncadd.s32 $0xFFFF3800  }
0x6c: {  	[hbm4b:s10+s3] =	stream.linear.scatter [tilespmem:s17], [sflag:$0x3], $0xC800, $0x38;
	[tilespmem:$0x19400] =	vst v63  }
0x6d: {  	_ =	swait.ge [sflag:s21], $0xC800  }
0x6e: {  	[sflag:s21] =	ssyncset.done $0x0  }
0x6f: {  	[sflag:s21] =	ssyncadd.s32 $0xFFFF3800  }
0x70: {  	s24 =	sadd.s32 $0x1, s24;
	_ =	swait.ge [sflag:s22], $0xC800  }
0x71: {  	p0 =	sne.s32 s24, s5;
	[sflag:s22] =	ssyncset.done $0x0  }
.Ltmp1:
0x72: {  	[sflag:s22] =	ssyncadd.s32 $0xFFFF3800;
	(pc) =	sbr.rel @p0 .LBB2_1-.Ltmp1, $4  }
0x73: {  	[hbm4b:s25+s3] =	stream.linear.scatter [tilespmem:s19], [sflag:$0x4], $0xC800, $0x38;
	[tilespmem:$0x19400] =	vst v63  }
0x74: {  	_ =	swait.ge [sflag:s23], $0xC800  }
0x75: {  	[sflag:s23] =	ssyncset.done $0x0  }
0x76: {  	[sflag:s23] =	ssyncadd.s32 $0xFFFF3800  }
0x77: {  	_ =	sfence.sel $0x180000  }
0x78: {  	[bflag:$0x0] =	sbarrier.arrive $0xFFFF  }
0x79: {  	p0 =	sne.s32 s0, $0x0;
	_ =	strace $0x90000047  }
0x7a: {  	s0 =	sadd.s32 @!p0 $0x100000, s2;
	[bflag:$0x2] =	sbarrier.arrive $0xFFFF  }
0x7b: {  	[sflag:s0] =	ssyncadd.tile.s32 @!p0 $0x1;
	_ =	shalt  }
.Lfunc_end2:
_tile_overlayer_lowered:
.L_overlay_start_2:
0x7c: {  	(tag) =	ssettag $0x2  }
0x7d: {  	s0 =	rddreg [dreg:$0x0];
	s2 =	stileid.u32  }
0x7e: {  	s1 =	rddreg [dreg:$0x1];
	p0 =	sne.s32 s2, $0x0  }
0x7f: {  	s3 =	rddreg [dreg:$0x2];
	[bflag:$0x3] =	sbarrier.arrive $0xFFFF;
	s2 =	simm.s32 @!p0 $0x1C05  }
0x80: {  	[timem:s3], [sflag:s2] =	dma.local @!p0 [hbm:s0], s1  }
0x81: {  	s0 =	simm.s32 @!p0 $0x5  }
0x82: {  	_ =	swait.ge @!p0 [sflag:s0], s1  }
0x83: {  	s1 =	ssub.s32 @!p0 $0x0, s1;
	[sflag:s0] =	ssyncset.done @!p0 $0x0  }
0x84: {  	[sflag:s0] =	ssyncadd.s32 @!p0 s1  }
0x85: {  	[bflag:$0x3] =	sbarrier.arrive $0xFFFF  }
0x86: {  	_ =	shalt  }

</sc_bundles>
